<compile_context>
chip_gen: v7x
topology: tpu7x:2x2x1
jax: 0.10.2.dev20260603
libtpu: 0.0.44.dev20260713+nightly
codegen_flags: <defaults>
</compile_context>

<pallas_src>
import functools

import jax
import jax.numpy as jnp
from jax import lax
from jax.experimental import pallas as pl
from jax.experimental.pallas import tpu as pltpu
from jax.experimental.pallas import tpu_sc as plsc

B = 32
P = 20000
C = 5
ROWP = 20224
NC = 2
NS = 16
L = 16
CHS = 4000
NCH = P // CHS
GRP = CHS // L
RPB = 8



def _prep_body(ct_ref, lt_ref, tlt_ref, lab_ref, m_ref, wpart_ref, lpart_ref):
    lab = lab_ref[...]
    pos = lab > 0
    posf = jnp.where(pos, 1.0, 0.0)
    x = [ct_ref[c] for c in range(C)]
    mx = jnp.maximum(jnp.maximum(jnp.maximum(x[0], x[1]),
                                 jnp.maximum(x[2], x[3])), x[4])
    s = (jnp.exp(x[0] - mx) + jnp.exp(x[1] - mx) + jnp.exp(x[2] - mx)
         + jnp.exp(x[3] - mx) + jnp.exp(x[4] - mx))
    lse = mx + jnp.log(s)
    xl = jnp.where(lab == 1, x[1], x[0])
    xl = jnp.where(lab == 2, x[2], xl)
    xl = jnp.where(lab == 3, x[3], xl)
    xl = jnp.where(lab == 4, x[4], xl)
    w = jnp.where(lab == 1, 1.0, 0.05)
    w = jnp.where(lab == 2, 5.0, w)
    w = jnp.where(lab == 3, 20.0, w)
    w = jnp.where(lab == 4, 10.0, w)
    wtot = jnp.sum(posf * (w * (lse - xl)))
    mvals = jnp.where(pos, -1.0, lse - x[0])
    mp = jnp.concatenate(
        [mvals, jnp.full((RPB, ROWP - P), -1.0, jnp.float32)],
        axis=1).astype(jnp.bfloat16)
    for r in range(RPB):
        m_ref[pl.ds(r * ROWP, ROWP)] = mp[r, :]
    d = lt_ref[...] - tlt_ref[...]
    sq = jnp.sum(d * d, axis=1)
    e = jnp.abs(jnp.exp(lt_ref[:, 2:4, :]) - jnp.exp(tlt_ref[:, 2:4, :]))
    ltot = jnp.sum((sq + jnp.sum(e, axis=1)) * posf)
    lane0 = jax.lax.broadcasted_iota(jnp.int32, (1, 1, 128), 2) == 0
    wpart_ref[...] = jnp.where(lane0, wtot, 0.0)
    lpart_ref[...] = jnp.where(lane0, ltot, 0.0)


def _prep(ct, lt, tlt, lab):
    nsteps = B // RPB
    return pl.pallas_call(
        _prep_body,
        grid=(nsteps,),
        in_specs=[
            pl.BlockSpec((C, RPB, P), lambda i: (0, i, 0)),
            pl.BlockSpec((RPB, 4, P), lambda i: (i, 0, 0)),
            pl.BlockSpec((RPB, 4, P), lambda i: (i, 0, 0)),
            pl.BlockSpec((RPB, P), lambda i: (i, 0)),
        ],
        out_specs=[
            pl.BlockSpec((RPB * ROWP,), lambda i: (i,)),
            pl.BlockSpec((1, 1, 128), lambda i: (i, 0, 0)),
            pl.BlockSpec((1, 1, 128), lambda i: (i, 0, 0)),
        ],
        out_shape=[
            jax.ShapeDtypeStruct((B * ROWP,), jnp.bfloat16),
            jax.ShapeDtypeStruct((nsteps, 1, 128), jnp.float32),
            jax.ShapeDtypeStruct((nsteps, 1, 128), jnp.float32),
        ],
    )(ct, lt, tlt, lab)



_UNROLL = 2
_NITER = ROWP // (2 * L * _UNROLL)


def _sc_body(m_hbm, part_hbm, mbuf, obuf):
    wid = lax.axis_index("s") * NC + lax.axis_index("c")
    zero = jnp.zeros((L,), jnp.float32)
    pltpu.sync_copy(m_hbm.at[pl.ds(wid * ROWP, ROWP)], mbuf)

    def group(g, carry):
        base = g * (2 * L * _UNROLL)
        out = []
        for u in range(_UNROLL):
            npos_u, negsum_u = carry[2 * u], carry[2 * u + 1]
            vb = mbuf[pl.ds(base + u * (2 * L), 2 * L)]
            va, vc = plsc.unpack(vb, format=plsc.PackFormat.INTERLEAVED)
            for v in (va, vc):
                isneg = v >= 0.0
                npos_u = npos_u + jnp.where(isneg, 0.0, 1.0)
                negsum_u = negsum_u + jnp.where(isneg, v, 0.0)
            out.append(npos_u)
            out.append(negsum_u)
        return tuple(out)

    acc = lax.fori_loop(0, _NITER, group, (zero,) * (2 * _UNROLL))
    npos_a = acc[0] + acc[2]
    negsum_a = acc[1] + acc[3]
    obuf[pl.ds(0, L)] = npos_a
    obuf[pl.ds(L, L)] = negsum_a
    pltpu.sync_copy(obuf, part_hbm.at[pl.ds(wid * (2 * L), 2 * L)])


@functools.cache
def _sc_main():
    return pl.kernel(
        _sc_body,
        out_type=jax.ShapeDtypeStruct((B * 2 * L,), jnp.float32),
        mesh=plsc.VectorSubcoreMesh(core_axis_name="c", subcore_axis_name="s",
                                    num_cores=NC, num_subcores=NS),
        scratch_types=[
            pltpu.VMEM((ROWP,), jnp.bfloat16),
            pltpu.VMEM((2 * L,), jnp.float32),
        ],
        compiler_params=pltpu.CompilerParams(needs_layout_passes=False),
    )



def _topk_body(m_ref, k_ref, nneg_ref, out_ref):
    v = m_ref[...].astype(jnp.float32)
    neg = v >= 0.0
    k_eff = jnp.minimum(k_ref[0, 0], nneg_ref[...])

    def bit_step(i, t_bits):
        cand = jnp.bitwise_or(t_bits, lax.shift_left(jnp.int32(1), 30 - i))
        t = lax.bitcast_convert_type(cand, jnp.float32)
        cnt = jnp.sum(jnp.where(neg & (v >= t), 1.0, 0.0), axis=1, keepdims=True)
        return jnp.where(cnt >= k_eff, cand, t_bits)

    t_bits = lax.fori_loop(0, 31, bit_step, jnp.zeros((B, 1), jnp.int32))
    t = lax.bitcast_convert_type(t_bits, jnp.float32)
    sel = neg & (v > t)
    cgt = jnp.sum(jnp.where(sel, 1.0, 0.0), axis=1, keepdims=True)
    ssum = jnp.sum(jnp.where(sel, v, 0.0), axis=1, keepdims=True)
    rows = ssum + (k_eff - cgt) * t
    rows = jnp.where(k_eff > 0.0, rows, 0.0)
    out_ref[...] = jnp.sum(rows).reshape(1, 1)


def _topk_sum(m2d, kf, nneg):
    return pl.pallas_call(
        _topk_body,
        out_shape=jax.ShapeDtypeStruct((1, 1), jnp.float32),
    )(m2d, kf.reshape(1, 1), nneg.reshape(B, 1))[0, 0]


def kernel(confidence, locations, target_confidence, target_locations):
    ct = jnp.transpose(confidence, (2, 0, 1))
    lt = jnp.transpose(locations, (0, 2, 1))
    tlt = jnp.transpose(target_locations, (0, 2, 1))
    m1d, wpart, lpart = _prep(ct, lt, tlt, target_confidence)
    partials = _sc_main()(m1d)
    part = partials.reshape(B, 2, L)
    npos_rows = jnp.sum(part[:, 0, :], axis=1) - float(ROWP - P)
    num_pos = jnp.sum(npos_rows)
    negsum_rows = jnp.sum(part[:, 1, :], axis=1)
    wsum = jnp.sum(wpart)
    locsum = jnp.sum(lpart)
    kf = 3.0 * num_pos
    neg_contrib = lax.cond(
        kf >= float(P),
        lambda: jnp.sum(negsum_rows),
        lambda: _topk_sum(m1d.reshape(B, ROWP), kf, float(P) - npos_rows),
    )
    return (locsum + wsum + 0.05 * neg_contrib) / num_pos

# --- scband reference (transcript-rebuilt; emitter-appended) ---
"""Pipeline reference for scband-multi-box-loss-37409165148577 (READ-ONLY COPY).

The authoritative reference and input builder live on the scoring server;
editing this copy changes nothing except your own understanding.
"""

import jax, jax.numpy as jnp
import numpy as np

NEG_POS_RATIO = 3


def setup_inputs(seed: int = 0) -> dict:
    key = jax.random.key(seed)
    k1, k2, k3, k4 = jax.random.split(key, 4)
    B, P, C = 32, 20000, 5
    confidence = jax.random.normal(k1, (B, P, C), dtype=jnp.float32)
    locations = jax.random.normal(k2, (B, P, 4), dtype=jnp.float32)
    target_confidence = jax.random.randint(k3, (B, P), 0, C, dtype=jnp.int32)
    target_locations = jax.random.normal(k4, (B, P, 4), dtype=jnp.float32)
    return {
        "confidence": confidence,
        "locations": locations,
        "target_confidence": target_confidence,
        "target_locations": target_locations,
    }


def hard_negative_mining(loss, labels, neg_pos_ratio):
    pos_mask = labels > 0
    num_pos = jnp.sum(pos_mask.astype(jnp.int32))
    num_neg = num_pos * neg_pos_ratio
    loss = jnp.where(pos_mask, -jnp.inf, loss)
    indexes = jnp.argsort(-loss, axis=1)  # descending sort
    orders = jnp.argsort(indexes, axis=1)
    neg_mask = orders < num_neg
    return pos_mask | neg_mask


def reference(confidence, locations, target_confidence, target_locations):
    weight = jnp.array([0.05, 1.0, 5.0, 20.0, 10.0], dtype=jnp.float32)
    logp = jax.nn.log_softmax(confidence, axis=2)
    # hard negative mining on background-class negative log-prob (no_grad in torch)
    loss0 = jax.lax.stop_gradient(-logp[:, :, 0])
    mask = hard_negative_mining(loss0, target_confidence, NEG_POS_RATIO)
    # weighted cross entropy, reduction='sum' over masked entries
    nll = -jnp.take_along_axis(logp, target_confidence[..., None], axis=2)[..., 0]
    w = weight[target_confidence]
    classification_loss = jnp.sum(jnp.where(mask, w * nll, 0.0))
    # localization losses over positive priors
    pos_mask = target_confidence > 0
    pm = pos_mask[..., None].astype(jnp.float32)
    smooth_l1_loss = jnp.sum(((locations - target_locations) ** 2) * pm)
    smooth_l1_loss = smooth_l1_loss + jnp.sum(
        jnp.abs(jnp.exp(locations[..., 2:4]) - jnp.exp(target_locations[..., 2:4])) * pm
    )
    num_pos = jnp.sum(pos_mask.astype(jnp.float32))
    return (smooth_l1_loss + classification_loss) / num_pos

if __name__ == "__main__":
    import jax
    _d = setup_inputs()
    print(jax.jit(kernel)(*tuple(_d.values())))

</pallas_src>

<mosaic_0001>
#map = affine_map<(d0, d1) -> (0)>
module attributes {stable_mosaic.version = 14 : i64} {
  func.func @_sc_body(%arg0: i32, %arg1: i32, %arg2: memref<647168xbf16, #tpu.memory_space<hbm>>, %arg3: memref<1024xf32, #tpu.memory_space<hbm>>, %arg4: memref<20224xbf16, #tpu.memory_space<vmem>>, %arg5: memref<32xf32, #tpu.memory_space<vmem>>) attributes {dimension_semantics = [#tpu.dimension_semantics<core_parallel>, #tpu.dimension_semantics<subcore_parallel>], iteration_bounds = array<i64: 2, 16>, scalar_prefetch = 0 : i64, scratch_operands = 2 : i64, tpu.core_type = #tpu.core_type<sc_vector_subcore>, window_params = [{transform_indices = #map}, {transform_indices = #map}]} {
    %mul3A = arith.constant 2 : i32
    %mul3A_0 = arith.muli %arg1, %mul3A : i32
    %add3A = arith.addi %mul3A_0, %arg0 : i32
    %broadcast_in_dim3A = arith.constant 0.000000e+00 : f32
    %broadcast_in_dim3A_1 = vector.broadcast %broadcast_in_dim3A : f32 to vector<16xf32>
    %mul3A_2 = arith.constant 20224 : i32
    %mul3A_3 = arith.muli %add3A, %mul3A_2 : i32
    "tpu.region"() ({
      %run_scoped3A = tpu.sem_alloc : memref<!tpu.dma_semaphore, #tpu.memory_space<semaphore_mem>>
      %dma_start3A = tpu.memref_slice %arg2[%mul3A_3] : memref<647168xbf16, #tpu.memory_space<hbm>> -> memref<20224xbf16, #tpu.memory_space<hbm>>
      %dma_start3A_16 = tpu.memref_slice %arg2[%mul3A_3] : memref<647168xbf16, #tpu.memory_space<hbm>> -> memref<20224xbf16, #tpu.memory_space<hbm>>
      tpu.enqueue_dma source(%dma_start3A_16 : memref<20224xbf16, #tpu.memory_space<hbm>>) target(%arg4 : memref<20224xbf16, #tpu.memory_space<vmem>>) target_semaphore(%run_scoped3A : memref<!tpu.dma_semaphore, #tpu.memory_space<semaphore_mem>>)
      %dma_wait3A = tpu.memref_slice %arg2[%mul3A_3] : memref<647168xbf16, #tpu.memory_space<hbm>> -> memref<20224xbf16, #tpu.memory_space<hbm>>
      %dma_wait3A_17 = tpu.memref_slice %arg2[%mul3A_3] : memref<647168xbf16, #tpu.memory_space<hbm>> -> memref<20224xbf16, #tpu.memory_space<hbm>>
      tpu.wait_dma2 semaphore(%run_scoped3A : memref<!tpu.dma_semaphore, #tpu.memory_space<semaphore_mem>>) src(%dma_wait3A_17 : memref<20224xbf16, #tpu.memory_space<hbm>>) dst(%arg4 : memref<20224xbf16, #tpu.memory_space<vmem>>)
      tpu.yield
    }) : () -> ()
    %scan3A = arith.constant 0 : i32
    %scan3A_4 = arith.constant 316 : i32
    %scan3A_5 = arith.addi %scan3A, %scan3A_4 : i32
    %scan3A_6 = arith.constant 1 : i32
    %scan3A_7:4 = scf.for %scan3A_16 = %scan3A to %scan3A_5 step %scan3A_6 iter_args(%scan3A_17 = %broadcast_in_dim3A_1, %scan3A_18 = %broadcast_in_dim3A_1, %scan3A_19 = %broadcast_in_dim3A_1, %scan3A_20 = %broadcast_in_dim3A_1) -> (vector<16xf32>, vector<16xf32>, vector<16xf32>, vector<16xf32>)  : i32 {
      %mul3A_21 = arith.constant 64 : i32
      %mul3A_22 = arith.muli %scan3A_16, %mul3A_21 : i32
      %add3A_23 = arith.constant 0 : i32
      %add3A_24 = arith.addi %mul3A_22, %add3A_23 : i32
      %get3A = arith.index_cast %add3A_24 : i32 to index
      %get3A_25 = tpu.vector_load %arg4[%get3A] {strides = array<i32>} : memref<20224xbf16, #tpu.memory_space<vmem>>, vector<32xbf16>,
      %unpack3A = tpu.unpack_subelements %get3A_25, 0 {pack_format = #tpu.pack_format<interleaved>} : vector<32xbf16> -> vector<16xf32>
      %unpack3A_26 = tpu.unpack_subelements %get3A_25, 1 {pack_format = #tpu.pack_format<interleaved>} : vector<32xbf16> -> vector<16xf32>
      %ge3A = arith.constant 0.000000e+00 : f32
      %ge3A_27 = vector.broadcast %ge3A : f32 to vector<16xf32>
      %ge3A_28 = arith.cmpf oge, %unpack3A, %ge3A_27 : vector<16xf32>
      %jit3A = arith.constant 0.000000e+00 : f32
      %jit3A_29 = arith.constant 1.000000e+00 : f32
      %broadcast_in_dim3A_30 = vector.broadcast %jit3A : f32 to vector<16xf32>
      %broadcast_in_dim3A_31 = vector.broadcast %jit3A_29 : f32 to vector<16xf32>
      %select_n3A = arith.select %ge3A_28, %broadcast_in_dim3A_30, %broadcast_in_dim3A_31 : vector<16xi1>, vector<16xf32>
      %add3A_32 = arith.addf %scan3A_17, %select_n3A : vector<16xf32>
      %jit3A_33 = arith.constant 0.000000e+00 : f32
      %broadcast_in_dim3A_34 = vector.broadcast %jit3A_33 : f32 to vector<16xf32>
      %select_n3A_35 = arith.select %ge3A_28, %unpack3A, %broadcast_in_dim3A_34 : vector<16xi1>, vector<16xf32>
      %add3A_36 = arith.addf %scan3A_18, %select_n3A_35 : vector<16xf32>
      %ge3A_37 = arith.constant 0.000000e+00 : f32
      %ge3A_38 = vector.broadcast %ge3A_37 : f32 to vector<16xf32>
      %ge3A_39 = arith.cmpf oge, %unpack3A_26, %ge3A_38 : vector<16xf32>
      %jit3A_40 = arith.constant 0.000000e+00 : f32
      %jit3A_41 = arith.constant 1.000000e+00 : f32
      %broadcast_in_dim3A_42 = vector.broadcast %jit3A_40 : f32 to vector<16xf32>
      %broadcast_in_dim3A_43 = vector.broadcast %jit3A_41 : f32 to vector<16xf32>
      %select_n3A_44 = arith.select %ge3A_39, %broadcast_in_dim3A_42, %broadcast_in_dim3A_43 : vector<16xi1>, vector<16xf32>
      %add3A_45 = arith.addf %add3A_32, %select_n3A_44 : vector<16xf32>
      %jit3A_46 = arith.constant 0.000000e+00 : f32
      %broadcast_in_dim3A_47 = vector.broadcast %jit3A_46 : f32 to vector<16xf32>
      %select_n3A_48 = arith.select %ge3A_39, %unpack3A_26, %broadcast_in_dim3A_47 : vector<16xi1>, vector<16xf32>
      %add3A_49 = arith.addf %add3A_36, %select_n3A_48 : vector<16xf32>
      %add3A_50 = arith.constant 32 : i32
      %add3A_51 = arith.addi %mul3A_22, %add3A_50 : i32
      %get3A_52 = arith.index_cast %add3A_51 : i32 to index
      %get3A_53 = tpu.vector_load %arg4[%get3A_52] {strides = array<i32>} : memref<20224xbf16, #tpu.memory_space<vmem>>, vector<32xbf16>,
      %unpack3A_54 = tpu.unpack_subelements %get3A_53, 0 {pack_format = #tpu.pack_format<interleaved>} : vector<32xbf16> -> vector<16xf32>
      %unpack3A_55 = tpu.unpack_subelements %get3A_53, 1 {pack_format = #tpu.pack_format<interleaved>} : vector<32xbf16> -> vector<16xf32>
      %ge3A_56 = arith.constant 0.000000e+00 : f32
      %ge3A_57 = vector.broadcast %ge3A_56 : f32 to vector<16xf32>
      %ge3A_58 = arith.cmpf oge, %unpack3A_54, %ge3A_57 : vector<16xf32>
      %jit3A_59 = arith.constant 0.000000e+00 : f32
      %jit3A_60 = arith.constant 1.000000e+00 : f32
      %broadcast_in_dim3A_61 = vector.broadcast %jit3A_59 : f32 to vector<16xf32>
      %broadcast_in_dim3A_62 = vector.broadcast %jit3A_60 : f32 to vector<16xf32>
      %select_n3A_63 = arith.select %ge3A_58, %broadcast_in_dim3A_61, %broadcast_in_dim3A_62 : vector<16xi1>, vector<16xf32>
      %add3A_64 = arith.addf %scan3A_19, %select_n3A_63 : vector<16xf32>
      %jit3A_65 = arith.constant 0.000000e+00 : f32
      %broadcast_in_dim3A_66 = vector.broadcast %jit3A_65 : f32 to vector<16xf32>
      %select_n3A_67 = arith.select %ge3A_58, %unpack3A_54, %broadcast_in_dim3A_66 : vector<16xi1>, vector<16xf32>
      %add3A_68 = arith.addf %scan3A_20, %select_n3A_67 : vector<16xf32>
      %ge3A_69 = arith.constant 0.000000e+00 : f32
      %ge3A_70 = vector.broadcast %ge3A_69 : f32 to vector<16xf32>
      %ge3A_71 = arith.cmpf oge, %unpack3A_55, %ge3A_70 : vector<16xf32>
      %jit3A_72 = arith.constant 0.000000e+00 : f32
      %jit3A_73 = arith.constant 1.000000e+00 : f32
      %broadcast_in_dim3A_74 = vector.broadcast %jit3A_72 : f32 to vector<16xf32>
      %broadcast_in_dim3A_75 = vector.broadcast %jit3A_73 : f32 to vector<16xf32>
      %select_n3A_76 = arith.select %ge3A_71, %broadcast_in_dim3A_74, %broadcast_in_dim3A_75 : vector<16xi1>, vector<16xf32>
      %add3A_77 = arith.addf %add3A_64, %select_n3A_76 : vector<16xf32>
      %jit3A_78 = arith.constant 0.000000e+00 : f32
      %broadcast_in_dim3A_79 = vector.broadcast %jit3A_78 : f32 to vector<16xf32>
      %select_n3A_80 = arith.select %ge3A_71, %unpack3A_55, %broadcast_in_dim3A_79 : vector<16xi1>, vector<16xf32>
      %add3A_81 = arith.addf %add3A_68, %select_n3A_80 : vector<16xf32>
      scf.yield %add3A_45, %add3A_49, %add3A_77, %add3A_81 : vector<16xf32>, vector<16xf32>, vector<16xf32>, vector<16xf32>
    }
    %scan3A_8 = arith.constant 316 : i32
    %add3A_9 = arith.addf %scan3A_7#0, %scan3A_7#2 : vector<16xf32>
    %add3A_10 = arith.addf %scan3A_7#1, %scan3A_7#3 : vector<16xf32>
    %swap3A = arith.constant 0 : index
    %swap3A_11 = tpu.vector_load %arg5[%swap3A] {strides = array<i32>} : memref<32xf32, #tpu.memory_space<vmem>>, vector<16xf32>,
    tpu.vector_store %arg5[%swap3A], %add3A_9 {strides = array<i32>} : memref<32xf32, #tpu.memory_space<vmem>>, vector<16xf32>,
    %swap3A_12 = arith.constant 16 : index
    %swap3A_13 = tpu.vector_load %arg5[%swap3A_12] {strides = array<i32>} : memref<32xf32, #tpu.memory_space<vmem>>, vector<16xf32>,
    tpu.vector_store %arg5[%swap3A_12], %add3A_10 {strides = array<i32>} : memref<32xf32, #tpu.memory_space<vmem>>, vector<16xf32>,
    %mul3A_14 = arith.constant 32 : i32
    %mul3A_15 = arith.muli %add3A, %mul3A_14 : i32
    "tpu.region"() ({
      %run_scoped3A = tpu.sem_alloc : memref<!tpu.dma_semaphore, #tpu.memory_space<semaphore_mem>>
      %dma_start3A = tpu.memref_slice %arg3[%mul3A_15] : memref<1024xf32, #tpu.memory_space<hbm>> -> memref<32xf32, #tpu.memory_space<hbm>>
      %dma_start3A_16 = tpu.memref_slice %arg3[%mul3A_15] : memref<1024xf32, #tpu.memory_space<hbm>> -> memref<32xf32, #tpu.memory_space<hbm>>
      tpu.enqueue_dma source(%arg5 : memref<32xf32, #tpu.memory_space<vmem>>) target(%dma_start3A_16 : memref<32xf32, #tpu.memory_space<hbm>>) target_semaphore(%run_scoped3A : memref<!tpu.dma_semaphore, #tpu.memory_space<semaphore_mem>>)
      %dma_wait3A = tpu.memref_slice %arg3[%mul3A_15] : memref<1024xf32, #tpu.memory_space<hbm>> -> memref<32xf32, #tpu.memory_space<hbm>>
      %dma_wait3A_17 = tpu.memref_slice %arg3[%mul3A_15] : memref<1024xf32, #tpu.memory_space<hbm>> -> memref<32xf32, #tpu.memory_space<hbm>>
      tpu.wait_dma2 semaphore(%run_scoped3A : memref<!tpu.dma_semaphore, #tpu.memory_space<semaphore_mem>>) src(%arg5 : memref<32xf32, #tpu.memory_space<vmem>>) dst(%dma_wait3A_17 : memref<32xf32, #tpu.memory_space<hbm>>)
      tpu.yield
    }) : () -> ()
    return
  }
}

module attributes {stable_mosaic.version = 14 : i64} {
  func.func @_prep_body(%arg0: i32, %arg1: memref<5x8x20000xf32, #tpu.memory_space<vmem>>, %arg2: memref<8x4x20000xf32, #tpu.memory_space<vmem>>, %arg3: memref<8x4x20000xf32, #tpu.memory_space<vmem>>, %arg4: memref<8x20000xi32, #tpu.memory_space<vmem>>, %arg5: memref<161792xbf16, #tpu.memory_space<vmem>>, %arg6: memref<1x1x128xf32, #tpu.memory_space<vmem>>, %arg7: memref<1x1x128xf32, #tpu.memory_space<vmem>>) attributes {dimension_semantics = [#tpu.dimension_semantics<arbitrary>], iteration_bounds = array<i64: 4>, scalar_prefetch = 0 : i64, scratch_operands = 0 : i64, tpu.core_type = #tpu.core_type<tc>, window_params = [{transform_indices = @transform_0, window_bounds = array<i64: 5, 8, 20000>}, {transform_indices = @transform_1, window_bounds = array<i64: 8, 4, 20000>}, {transform_indices = @transform_2, window_bounds = array<i64: 8, 4, 20000>}, {transform_indices = @transform_3, window_bounds = array<i64: 8, 20000>}, {transform_indices = @transform_4, window_bounds = array<i64: 161792>}, {transform_indices = @transform_5, window_bounds = array<i64: 1, 1, 128>}, {transform_indices = @transform_6, window_bounds = array<i64: 1, 1, 128>}]} {
    %get3A = arith.constant 0 : index
    %get3A_0 = arith.constant 0 : index
    %get3A_1 = vector.load %arg4[%get3A, %get3A_0] : memref<8x20000xi32, #tpu.memory_space<vmem>>, vector<8x20000xi32>
    %gt3A = arith.constant 0 : i32
    %gt3A_2 = vector.broadcast %gt3A : i32 to vector<8x20000xi32>
    %gt3A_3 = arith.cmpi sgt, %get3A_1, %gt3A_2 : vector<8x20000xi32>
    %jit3A = arith.constant 1.000000e+00 : f32
    %jit3A_4 = arith.constant 0.000000e+00 : f32
    %broadcast_in_dim3A = vector.broadcast %jit3A : f32 to vector<8x20000xf32>
    %broadcast_in_dim3A_5 = vector.broadcast %jit3A_4 : f32 to vector<8x20000xf32>
    %select_n3A = arith.select %gt3A_3, %broadcast_in_dim3A, %broadcast_in_dim3A_5 : vector<8x20000xi1>, vector<8x20000xf32>
    %get3A_6 = arith.constant 0 : index
    %get3A_7 = arith.constant 0 : index
    %get3A_8 = arith.constant 0 : index
    %get3A_9 = vector.load %arg1[%get3A_6, %get3A_7, %get3A_8] : memref<5x8x20000xf32, #tpu.memory_space<vmem>>, vector<1x8x20000xf32>
    %get3A_10 = vector.shape_cast %get3A_9 : vector<1x8x20000xf32> to vector<8x20000xf32>
    %get3A_11 = arith.constant 1 : index
    %get3A_12 = arith.constant 0 : index
    %get3A_13 = arith.constant 0 : index
    %get3A_14 = vector.load %arg1[%get3A_11, %get3A_12, %get3A_13] : memref<5x8x20000xf32, #tpu.memory_space<vmem>>, vector<1x8x20000xf32>
    %get3A_15 = vector.shape_cast %get3A_14 : vector<1x8x20000xf32> to vector<8x20000xf32>
    %get3A_16 = arith.constant 2 : index
    %get3A_17 = arith.constant 0 : index
    %get3A_18 = arith.constant 0 : index
    %get3A_19 = vector.load %arg1[%get3A_16, %get3A_17, %get3A_18] : memref<5x8x20000xf32, #tpu.memory_space<vmem>>, vector<1x8x20000xf32>
    %get3A_20 = vector.shape_cast %get3A_19 : vector<1x8x20000xf32> to vector<8x20000xf32>
    %get3A_21 = arith.constant 3 : index
    %get3A_22 = arith.constant 0 : index
    %get3A_23 = arith.constant 0 : index
    %get3A_24 = vector.load %arg1[%get3A_21, %get3A_22, %get3A_23] : memref<5x8x20000xf32, #tpu.memory_space<vmem>>, vector<1x8x20000xf32>
    %get3A_25 = vector.shape_cast %get3A_24 : vector<1x8x20000xf32> to vector<8x20000xf32>
    %get3A_26 = arith.constant 4 : index
    %get3A_27 = arith.constant 0 : index
    %get3A_28 = arith.constant 0 : index
    %get3A_29 = vector.load %arg1[%get3A_26, %get3A_27, %get3A_28] : memref<5x8x20000xf32, #tpu.memory_space<vmem>>, vector<1x8x20000xf32>
    %get3A_30 = vector.shape_cast %get3A_29 : vector<1x8x20000xf32> to vector<8x20000xf32>
    %max3A = arith.maximumf %get3A_10, %get3A_15 : vector<8x20000xf32>
    %max3A_31 = arith.maximumf %get3A_20, %get3A_25 : vector<8x20000xf32>
    %max3A_32 = arith.maximumf %max3A, %max3A_31 : vector<8x20000xf32>
    %max3A_33 = arith.maximumf %max3A_32, %get3A_30 : vector<8x20000xf32>
    %sub3A = arith.subf %get3A_10, %max3A_33 : vector<8x20000xf32>
    %exp3A = math.exp %sub3A : vector<8x20000xf32>
    %sub3A_34 = arith.subf %get3A_15, %max3A_33 : vector<8x20000xf32>
    %exp3A_35 = math.exp %sub3A_34 : vector<8x20000xf32>
    %add3A = arith.addf %exp3A, %exp3A_35 : vector<8x20000xf32>
    %sub3A_36 = arith.subf %get3A_20, %max3A_33 : vector<8x20000xf32>
    %exp3A_37 = math.exp %sub3A_36 : vector<8x20000xf32>
    %add3A_38 = arith.addf %add3A, %exp3A_37 : vector<8x20000xf32>
    %sub3A_39 = arith.subf %get3A_25, %max3A_33 : vector<8x20000xf32>
    %exp3A_40 = math.exp %sub3A_39 : vector<8x20000xf32>
    %add3A_41 = arith.addf %add3A_38, %exp3A_40 : vector<8x20000xf32>
    %sub3A_42 = arith.subf %get3A_30, %max3A_33 : vector<8x20000xf32>
    %exp3A_43 = math.exp %sub3A_42 : vector<8x20000xf32>
    %add3A_44 = arith.addf %add3A_41, %exp3A_43 : vector<8x20000xf32>
    %log3A = math.log %add3A_44 : vector<8x20000xf32>
    %add3A_45 = arith.addf %max3A_33, %log3A : vector<8x20000xf32>
    %eq3A = arith.constant 1 : i32
    %eq3A_46 = vector.broadcast %eq3A : i32 to vector<8x20000xi32>
    %eq3A_47 = arith.cmpi eq, %get3A_1, %eq3A_46 : vector<8x20000xi32>
    %select_n3A_48 = arith.select %eq3A_47, %get3A_15, %get3A_10 : vector<8x20000xi1>, vector<8x20000xf32>
    %eq3A_49 = arith.constant 2 : i32
    %eq3A_50 = vector.broadcast %eq3A_49 : i32 to vector<8x20000xi32>
    %eq3A_51 = arith.cmpi eq, %get3A_1, %eq3A_50 : vector<8x20000xi32>
    %select_n3A_52 = arith.select %eq3A_51, %get3A_20, %select_n3A_48 : vector<8x20000xi1>, vector<8x20000xf32>
    %eq3A_53 = arith.constant 3 : i32
    %eq3A_54 = vector.broadcast %eq3A_53 : i32 to vector<8x20000xi32>
    %eq3A_55 = arith.cmpi eq, %get3A_1, %eq3A_54 : vector<8x20000xi32>
    %select_n3A_56 = arith.select %eq3A_55, %get3A_25, %select_n3A_52 : vector<8x20000xi1>, vector<8x20000xf32>
    %eq3A_57 = arith.constant 4 : i32
    %eq3A_58 = vector.broadcast %eq3A_57 : i32 to vector<8x20000xi32>
    %eq3A_59 = arith.cmpi eq, %get3A_1, %eq3A_58 : vector<8x20000xi32>
    %select_n3A_60 = arith.select %eq3A_59, %get3A_30, %select_n3A_56 : vector<8x20000xi1>, vector<8x20000xf32>
    %eq3A_61 = arith.constant 1 : i32
    %eq3A_62 = vector.broadcast %eq3A_61 : i32 to vector<8x20000xi32>
    %eq3A_63 = arith.cmpi eq, %get3A_1, %eq3A_62 : vector<8x20000xi32>
    %jit3A_64 = arith.constant 1.000000e+00 : f32
    %jit3A_65 = arith.constant 5.000000e-02 : f32
    %broadcast_in_dim3A_66 = vector.broadcast %jit3A_64 : f32 to vector<8x20000xf32>
    %broadcast_in_dim3A_67 = vector.broadcast %jit3A_65 : f32 to vector<8x20000xf32>
    %select_n3A_68 = arith.select %eq3A_63, %broadcast_in_dim3A_66, %broadcast_in_dim3A_67 : vector<8x20000xi1>, vector<8x20000xf32>
    %eq3A_69 = arith.constant 2 : i32
    %eq3A_70 = vector.broadcast %eq3A_69 : i32 to vector<8x20000xi32>
    %eq3A_71 = arith.cmpi eq, %get3A_1, %eq3A_70 : vector<8x20000xi32>
    %jit3A_72 = arith.constant 5.000000e+00 : f32
    %broadcast_in_dim3A_73 = vector.broadcast %jit3A_72 : f32 to vector<8x20000xf32>
    %select_n3A_74 = arith.select %eq3A_71, %broadcast_in_dim3A_73, %select_n3A_68 : vector<8x20000xi1>, vector<8x20000xf32>
    %eq3A_75 = arith.constant 3 : i32
    %eq3A_76 = vector.broadcast %eq3A_75 : i32 to vector<8x20000xi32>
    %eq3A_77 = arith.cmpi eq, %get3A_1, %eq3A_76 : vector<8x20000xi32>
    %jit3A_78 = arith.constant 2.000000e+01 : f32
    %broadcast_in_dim3A_79 = vector.broadcast %jit3A_78 : f32 to vector<8x20000xf32>
    %select_n3A_80 = arith.select %eq3A_77, %broadcast_in_dim3A_79, %select_n3A_74 : vector<8x20000xi1>, vector<8x20000xf32>
    %eq3A_81 = arith.constant 4 : i32
    %eq3A_82 = vector.broadcast %eq3A_81 : i32 to vector<8x20000xi32>
    %eq3A_83 = arith.cmpi eq, %get3A_1, %eq3A_82 : vector<8x20000xi32>
    %jit3A_84 = arith.constant 1.000000e+01 : f32
    %broadcast_in_dim3A_85 = vector.broadcast %jit3A_84 : f32 to vector<8x20000xf32>
    %select_n3A_86 = arith.select %eq3A_83, %broadcast_in_dim3A_85, %select_n3A_80 : vector<8x20000xi1>, vector<8x20000xf32>
    %sub3A_87 = arith.subf %add3A_45, %select_n3A_60 : vector<8x20000xf32>
    %mul3A = arith.mulf %select_n3A_86, %sub3A_87 : vector<8x20000xf32>
    %mul3A_88 = arith.mulf %select_n3A, %mul3A : vector<8x20000xf32>
    %reduce_sum3A = vector.shape_cast %mul3A_88 : vector<8x20000xf32> to vector<1x8x20000xf32>
    %reduce_sum3A_89 = arith.constant dense<0.000000e+00> : vector<1xf32>
    %reduce_sum3A_90 = vector.multi_reduction <add>, %reduce_sum3A, %reduce_sum3A_89 [1, 2] : vector<1x8x20000xf32> to vector<1xf32>
    %reduce_sum3A_91 = vector.shape_cast %reduce_sum3A_90 : vector<1xf32> to vector<1x1x1xf32>
    %reduce_sum3A_92 = vector.extract %reduce_sum3A_91[0, 0, 0] : f32 from vector<1x1x1xf32>
    %sub3A_93 = arith.subf %add3A_45, %get3A_10 : vector<8x20000xf32>
    %jit3A_94 = arith.constant -1.000000e+00 : f32
    %broadcast_in_dim3A_95 = vector.broadcast %jit3A_94 : f32 to vector<8x20000xf32>
    %select_n3A_96 = arith.select %gt3A_3, %broadcast_in_dim3A_95, %sub3A_93 : vector<8x20000xi1>, vector<8x20000xf32>
    %broadcast_in_dim3A_97 = arith.constant -1.000000e+00 : f32
    %broadcast_in_dim3A_98 = vector.broadcast %broadcast_in_dim3A_97 : f32 to vector<8x224xf32>
    %concatenate3A = tpu.concatenate %select_n3A_96, %broadcast_in_dim3A_98 in 1 : vector<8x20000xf32>, vector<8x224xf32> -> vector<8x20224xf32>
    %convert_element_type3A = arith.truncf %concatenate3A : vector<8x20224xf32> to vector<8x20224xbf16>
    %slice3A = vector.extract_strided_slice %convert_element_type3A {offsets = [0, 0], sizes = [1, 20224], strides = [1, 1]} : vector<8x20224xbf16> to vector<1x20224xbf16>
    %squeeze3A = vector.shape_cast %slice3A : vector<1x20224xbf16> to vector<20224xbf16>
    %swap3A = arith.constant 0 : index
    %swap3A_99 = vector.load %arg5[%swap3A] : memref<161792xbf16, #tpu.memory_space<vmem>>, vector<20224xbf16>
    tpu.vector_store %arg5[%swap3A], %squeeze3A {strides = array<i32>} : memref<161792xbf16, #tpu.memory_space<vmem>>, vector<20224xbf16>,
    %slice3A_100 = vector.extract_strided_slice %convert_element_type3A {offsets = [1, 0], sizes = [1, 20224], strides = [1, 1]} : vector<8x20224xbf16> to vector<1x20224xbf16>
    %squeeze3A_101 = vector.shape_cast %slice3A_100 : vector<1x20224xbf16> to vector<20224xbf16>
    %swap3A_102 = arith.constant 20224 : index
    %swap3A_103 = vector.load %arg5[%swap3A_102] : memref<161792xbf16, #tpu.memory_space<vmem>>, vector<20224xbf16>
    tpu.vector_store %arg5[%swap3A_102], %squeeze3A_101 {strides = array<i32>} : memref<161792xbf16, #tpu.memory_space<vmem>>, vector<20224xbf16>,
    %slice3A_104 = vector.extract_strided_slice %convert_element_type3A {offsets = [2, 0], sizes = [1, 20224], strides = [1, 1]} : vector<8x20224xbf16> to vector<1x20224xbf16>
    %squeeze3A_105 = vector.shape_cast %slice3A_104 : vector<1x20224xbf16> to vector<20224xbf16>
    %swap3A_106 = arith.constant 40448 : index
    %swap3A_107 = vector.load %arg5[%swap3A_106] : memref<161792xbf16, #tpu.memory_space<vmem>>, vector<20224xbf16>
    tpu.vector_store %arg5[%swap3A_106], %squeeze3A_105 {strides = array<i32>} : memref<161792xbf16, #tpu.memory_space<vmem>>, vector<20224xbf16>,
    %slice3A_108 = vector.extract_strided_slice %convert_element_type3A {offsets = [3, 0], sizes = [1, 20224], strides = [1, 1]} : vector<8x20224xbf16> to vector<1x20224xbf16>
    %squeeze3A_109 = vector.shape_cast %slice3A_108 : vector<1x20224xbf16> to vector<20224xbf16>
    %swap3A_110 = arith.constant 60672 : index
    %swap3A_111 = vector.load %arg5[%swap3A_110] : memref<161792xbf16, #tpu.memory_space<vmem>>, vector<20224xbf16>
    tpu.vector_store %arg5[%swap3A_110], %squeeze3A_109 {strides = array<i32>} : memref<161792xbf16, #tpu.memory_space<vmem>>, vector<20224xbf16>,
    %slice3A_112 = vector.extract_strided_slice %convert_element_type3A {offsets = [4, 0], sizes = [1, 20224], strides = [1, 1]} : vector<8x20224xbf16> to vector<1x20224xbf16>
    %squeeze3A_113 = vector.shape_cast %slice3A_112 : vector<1x20224xbf16> to vector<20224xbf16>
    %swap3A_114 = arith.constant 80896 : index
    %swap3A_115 = vector.load %arg5[%swap3A_114] : memref<161792xbf16, #tpu.memory_space<vmem>>, vector<20224xbf16>
    tpu.vector_store %arg5[%swap3A_114], %squeeze3A_113 {strides = array<i32>} : memref<161792xbf16, #tpu.memory_space<vmem>>, vector<20224xbf16>,
    %slice3A_116 = vector.extract_strided_slice %convert_element_type3A {offsets = [5, 0], sizes = [1, 20224], strides = [1, 1]} : vector<8x20224xbf16> to vector<1x20224xbf16>
    %squeeze3A_117 = vector.shape_cast %slice3A_116 : vector<1x20224xbf16> to vector<20224xbf16>
    %swap3A_118 = arith.constant 101120 : index
    %swap3A_119 = vector.load %arg5[%swap3A_118] : memref<161792xbf16, #tpu.memory_space<vmem>>, vector<20224xbf16>
    tpu.vector_store %arg5[%swap3A_118], %squeeze3A_117 {strides = array<i32>} : memref<161792xbf16, #tpu.memory_space<vmem>>, vector<20224xbf16>,
    %slice3A_120 = vector.extract_strided_slice %convert_element_type3A {offsets = [6, 0], sizes = [1, 20224], strides = [1, 1]} : vector<8x20224xbf16> to vector<1x20224xbf16>
    %squeeze3A_121 = vector.shape_cast %slice3A_120 : vector<1x20224xbf16> to vector<20224xbf16>
    %swap3A_122 = arith.constant 121344 : index
    %swap3A_123 = vector.load %arg5[%swap3A_122] : memref<161792xbf16, #tpu.memory_space<vmem>>, vector<20224xbf16>
    tpu.vector_store %arg5[%swap3A_122], %squeeze3A_121 {strides = array<i32>} : memref<161792xbf16, #tpu.memory_space<vmem>>, vector<20224xbf16>,
    %slice3A_124 = vector.extract_strided_slice %convert_element_type3A {offsets = [7, 0], sizes = [1, 20224], strides = [1, 1]} : vector<8x20224xbf16> to vector<1x20224xbf16>
    %squeeze3A_125 = vector.shape_cast %slice3A_124 : vector<1x20224xbf16> to vector<20224xbf16>
    %swap3A_126 = arith.constant 141568 : index
    %swap3A_127 = vector.load %arg5[%swap3A_126] : memref<161792xbf16, #tpu.memory_space<vmem>>, vector<20224xbf16>
    tpu.vector_store %arg5[%swap3A_126], %squeeze3A_125 {strides = array<i32>} : memref<161792xbf16, #tpu.memory_space<vmem>>, vector<20224xbf16>,
    %get3A_128 = arith.constant 0 : index
    %get3A_129 = arith.constant 0 : index
    %get3A_130 = arith.constant 0 : index
    %get3A_131 = vector.load %arg2[%get3A_128, %get3A_129, %get3A_130] : memref<8x4x20000xf32, #tpu.memory_space<vmem>>, vector<8x4x20000xf32>
    %get3A_132 = arith.constant 0 : index
    %get3A_133 = arith.constant 0 : index
    %get3A_134 = arith.constant 0 : index
    %get3A_135 = vector.load %arg3[%get3A_132, %get3A_133, %get3A_134] : memref<8x4x20000xf32, #tpu.memory_space<vmem>>, vector<8x4x20000xf32>
    %sub3A_136 = arith.subf %get3A_131, %get3A_135 : vector<8x4x20000xf32>
    %mul3A_137 = arith.mulf %sub3A_136, %sub3A_136 : vector<8x4x20000xf32>
    %reduce_sum3A_138 = arith.constant dense<0.000000e+00> : vector<8x20000xf32>
    %reduce_sum3A_139 = vector.multi_reduction <add>, %mul3A_137, %reduce_sum3A_138 [1] : vector<8x4x20000xf32> to vector<8x20000xf32>
    %get3A_140 = arith.constant 0 : index
    %get3A_141 = arith.constant 2 : index
    %get3A_142 = arith.constant 0 : index
    %get3A_143 = vector.load %arg2[%get3A_140, %get3A_141, %get3A_142] : memref<8x4x20000xf32, #tpu.memory_space<vmem>>, vector<8x2x20000xf32>
    %exp3A_144 = math.exp %get3A_143 : vector<8x2x20000xf32>
    %get3A_145 = arith.constant 0 : index
    %get3A_146 = arith.constant 2 : index
    %get3A_147 = arith.constant 0 : index
    %get3A_148 = vector.load %arg3[%get3A_145, %get3A_146, %get3A_147] : memref<8x4x20000xf32, #tpu.memory_space<vmem>>, vector<8x2x20000xf32>
    %exp3A_149 = math.exp %get3A_148 : vector<8x2x20000xf32>
    %sub3A_150 = arith.subf %exp3A_144, %exp3A_149 : vector<8x2x20000xf32>
    %abs3A = math.absf %sub3A_150 : vector<8x2x20000xf32>
    %reduce_sum3A_151 = arith.constant dense<0.000000e+00> : vector<8x20000xf32>
    %reduce_sum3A_152 = vector.multi_reduction <add>, %abs3A, %reduce_sum3A_151 [1] : vector<8x2x20000xf32> to vector<8x20000xf32>
    %add3A_153 = arith.addf %reduce_sum3A_139, %reduce_sum3A_152 : vector<8x20000xf32>
    %mul3A_154 = arith.mulf %add3A_153, %select_n3A : vector<8x20000xf32>
    %reduce_sum3A_155 = vector.shape_cast %mul3A_154 : vector<8x20000xf32> to vector<1x8x20000xf32>
    %reduce_sum3A_156 = arith.constant dense<0.000000e+00> : vector<1xf32>
    %reduce_sum3A_157 = vector.multi_reduction <add>, %reduce_sum3A_155, %reduce_sum3A_156 [1, 2] : vector<1x8x20000xf32> to vector<1xf32>
    %reduce_sum3A_158 = vector.shape_cast %reduce_sum3A_157 : vector<1xf32> to vector<1x1x1xf32>
    %reduce_sum3A_159 = vector.extract %reduce_sum3A_158[0, 0, 0] : f32 from vector<1x1x1xf32>
    %iota3A = tpu.iota {dimensions = array<i32: 2>} : vector<1x1x128xi32>
    %eq3A_160 = arith.constant 0 : i32
    %eq3A_161 = vector.broadcast %eq3A_160 : i32 to vector<1x1x128xi32>
    %eq3A_162 = arith.cmpi eq, %iota3A, %eq3A_161 : vector<1x1x128xi32>
    %jit3A_163 = arith.constant 0.000000e+00 : f32
    %broadcast_in_dim3A_164 = vector.broadcast %reduce_sum3A_92 : f32 to vector<1x1x128xf32>
    %broadcast_in_dim3A_165 = vector.broadcast %jit3A_163 : f32 to vector<1x1x128xf32>
    %select_n3A_166 = arith.select %eq3A_162, %broadcast_in_dim3A_164, %broadcast_in_dim3A_165 : vector<1x1x128xi1>, vector<1x1x128xf32>
    %swap3A_167 = arith.constant 0 : index
    %swap3A_168 = arith.constant 0 : index
    %swap3A_169 = arith.constant 0 : index
    %swap3A_170 = vector.load %arg6[%swap3A_167, %swap3A_168, %swap3A_169] : memref<1x1x128xf32, #tpu.memory_space<vmem>>, vector<1x1x128xf32>
    tpu.vector_store %arg6[%swap3A_167, %swap3A_168, %swap3A_169], %select_n3A_166 {strides = array<i32>} : memref<1x1x128xf32, #tpu.memory_space<vmem>>, vector<1x1x128xf32>,
    %jit3A_171 = arith.constant 0.000000e+00 : f32
    %broadcast_in_dim3A_172 = vector.broadcast %reduce_sum3A_159 : f32 to vector<1x1x128xf32>
    %broadcast_in_dim3A_173 = vector.broadcast %jit3A_171 : f32 to vector<1x1x128xf32>
    %select_n3A_174 = arith.select %eq3A_162, %broadcast_in_dim3A_172, %broadcast_in_dim3A_173 : vector<1x1x128xi1>, vector<1x1x128xf32>
    %swap3A_175 = arith.constant 0 : index
    %swap3A_176 = arith.constant 0 : index
    %swap3A_177 = arith.constant 0 : index
    %swap3A_178 = vector.load %arg7[%swap3A_175, %swap3A_176, %swap3A_177] : memref<1x1x128xf32, #tpu.memory_space<vmem>>, vector<1x1x128xf32>
    tpu.vector_store %arg7[%swap3A_175, %swap3A_176, %swap3A_177], %select_n3A_174 {strides = array<i32>} : memref<1x1x128xf32, #tpu.memory_space<vmem>>, vector<1x1x128xf32>,
    return
  }
  func.func @transform_0(%arg0: i32) -> (i32, i32, i32) {
    %c0_i32 = arith.constant 0 : i32
    %c0_i32_0 = arith.constant 0 : i32
    %c0_i32_1 = arith.constant 0 : i32
    return %c0_i32, %arg0, %c0_i32_0 : i32, i32, i32
  }
  func.func @transform_1(%arg0: i32) -> (i32, i32, i32) {
    %c0_i32 = arith.constant 0 : i32
    %c0_i32_0 = arith.constant 0 : i32
    %c0_i32_1 = arith.constant 0 : i32
    return %arg0, %c0_i32, %c0_i32_0 : i32, i32, i32
  }
  func.func @transform_2(%arg0: i32) -> (i32, i32, i32) {
    %c0_i32 = arith.constant 0 : i32
    %c0_i32_0 = arith.constant 0 : i32
    %c0_i32_1 = arith.constant 0 : i32
    return %arg0, %c0_i32, %c0_i32_0 : i32, i32, i32
  }
  func.func @transform_3(%arg0: i32) -> (i32, i32) {
    %c0_i32 = arith.constant 0 : i32
    %c0_i32_0 = arith.constant 0 : i32
    return %arg0, %c0_i32 : i32, i32
  }
  func.func @transform_4(%arg0: i32) -> i32 {
    %c0_i32 = arith.constant 0 : i32
    return %arg0 : i32
  }
  func.func @transform_5(%arg0: i32) -> (i32, i32, i32) {
    %c0_i32 = arith.constant 0 : i32
    %c0_i32_0 = arith.constant 0 : i32
    %c0_i32_1 = arith.constant 0 : i32
    return %arg0, %c0_i32, %c0_i32_0 : i32, i32, i32
  }
  func.func @transform_6(%arg0: i32) -> (i32, i32, i32) {
    %c0_i32 = arith.constant 0 : i32
    %c0_i32_0 = arith.constant 0 : i32
    %c0_i32_1 = arith.constant 0 : i32
    return %arg0, %c0_i32, %c0_i32_0 : i32, i32, i32
  }
}

module attributes {stable_mosaic.version = 14 : i64} {
  func.func @_topk_body(%arg0: memref<32x20224xbf16, #tpu.memory_space<vmem>>, %arg1: memref<1x1xf32, #tpu.memory_space<vmem>>, %arg2: memref<32x1xf32, #tpu.memory_space<vmem>>, %arg3: memref<1x1xf32, #tpu.memory_space<vmem>>) attributes {dimension_semantics = [], scalar_prefetch = 0 : i64, scratch_operands = 0 : i64, tpu.core_type = #tpu.core_type<tc>} {
    %get3A = arith.constant 0 : index
    %get3A_0 = arith.constant 0 : index
    %get3A_1 = vector.load %arg0[%get3A, %get3A_0] : memref<32x20224xbf16, #tpu.memory_space<vmem>>, vector<32x20224xbf16>
    %convert_element_type3A = arith.extf %get3A_1 : vector<32x20224xbf16> to vector<32x20224xf32>
    %ge3A = arith.constant 0.000000e+00 : f32
    %ge3A_2 = vector.broadcast %ge3A : f32 to vector<32x20224xf32>
    %ge3A_3 = arith.cmpf oge, %convert_element_type3A, %ge3A_2 : vector<32x20224xf32>
    %get3A_4 = arith.constant 0 : index
    %get3A_5 = arith.constant 0 : index
    %get3A_6 = vector.load %arg1[%get3A_4, %get3A_5] : memref<1x1xf32, #tpu.memory_space<vmem>>, vector<1x1xf32>
    %get3A_7 = vector.extract %get3A_6[0, 0] : f32 from vector<1x1xf32>
    %get3A_8 = arith.constant 0 : index
    %get3A_9 = arith.constant 0 : index
    %get3A_10 = vector.load %arg2[%get3A_8, %get3A_9] : memref<32x1xf32, #tpu.memory_space<vmem>>, vector<32x1xf32>
    %min3A = vector.broadcast %get3A_7 : f32 to vector<32x1xf32>
    %min3A_11 = arith.minimumf %min3A, %get3A_10 : vector<32x1xf32>
    %broadcast_in_dim3A = arith.constant 0 : i32
    %broadcast_in_dim3A_12 = vector.broadcast %broadcast_in_dim3A : i32 to vector<32x1xi32>
    %scan3A = arith.constant 0 : i32
    %scan3A_13 = arith.constant 31 : i32
    %scan3A_14 = arith.addi %scan3A, %scan3A_13 : i32
    %scan3A_15 = arith.constant 1 : i32
    %scan3A_16 = scf.for %scan3A_43 = %scan3A to %scan3A_14 step %scan3A_15 iter_args(%scan3A_44 = %broadcast_in_dim3A_12) -> (vector<32x1xi32>)  : i32 {
      %sub3A_45 = arith.constant 30 : i32
      %sub3A_46 = arith.subi %sub3A_45, %scan3A_43 : i32
      %shift_left3A = arith.constant 1 : i32
      %shift_left3A_47 = arith.shli %shift_left3A, %sub3A_46 : i32
      %or3A = vector.broadcast %shift_left3A_47 : i32 to vector<32x1xi32>
      %or3A_48 = arith.ori %scan3A_44, %or3A : vector<32x1xi32>
      %bitcast_convert_type3A_49 = tpu.bitcast %or3A_48 : vector<32x1xi32> -> vector<32x1xf32>
      %ge3A_50 = vector.broadcast %bitcast_convert_type3A_49 : vector<32x1xf32> to vector<32x20224xf32>
      %ge3A_51 = arith.cmpf oge, %convert_element_type3A, %ge3A_50 : vector<32x20224xf32>
      %and3A_52 = arith.andi %ge3A_3, %ge3A_51 : vector<32x20224xi1>
      %jit3A_53 = arith.constant 1.000000e+00 : f32
      %jit3A_54 = arith.constant 0.000000e+00 : f32
      %broadcast_in_dim3A_55 = vector.broadcast %jit3A_53 : f32 to vector<32x20224xf32>
      %broadcast_in_dim3A_56 = vector.broadcast %jit3A_54 : f32 to vector<32x20224xf32>
      %select_n3A_57 = arith.select %and3A_52, %broadcast_in_dim3A_55, %broadcast_in_dim3A_56 : vector<32x20224xi1>, vector<32x20224xf32>
      %reduce_sum3A_58 = arith.constant dense<0.000000e+00> : vector<32xf32>
      %reduce_sum3A_59 = vector.multi_reduction <add>, %select_n3A_57, %reduce_sum3A_58 [1] : vector<32x20224xf32> to vector<32xf32>
      %broadcast_in_dim3A_60 = vector.shape_cast %reduce_sum3A_59 : vector<32xf32> to vector<32x1xf32>
      %ge3A_61 = arith.cmpf oge, %broadcast_in_dim3A_60, %min3A_11 : vector<32x1xf32>
      %select_n3A_62 = arith.select %ge3A_61, %or3A_48, %scan3A_44 : vector<32x1xi1>, vector<32x1xi32>
      scf.yield %select_n3A_62 : vector<32x1xi32>
    }
    %scan3A_17 = arith.constant 31 : i32
    %bitcast_convert_type3A = tpu.bitcast %scan3A_16 : vector<32x1xi32> -> vector<32x1xf32>
    %gt3A = vector.broadcast %bitcast_convert_type3A : vector<32x1xf32> to vector<32x20224xf32>
    %gt3A_18 = arith.cmpf ogt, %convert_element_type3A, %gt3A : vector<32x20224xf32>
    %and3A = arith.andi %ge3A_3, %gt3A_18 : vector<32x20224xi1>
    %jit3A = arith.constant 1.000000e+00 : f32
    %jit3A_19 = arith.constant 0.000000e+00 : f32
    %broadcast_in_dim3A_20 = vector.broadcast %jit3A : f32 to vector<32x20224xf32>
    %broadcast_in_dim3A_21 = vector.broadcast %jit3A_19 : f32 to vector<32x20224xf32>
    %select_n3A = arith.select %and3A, %broadcast_in_dim3A_20, %broadcast_in_dim3A_21 : vector<32x20224xi1>, vector<32x20224xf32>
    %reduce_sum3A = arith.constant dense<0.000000e+00> : vector<32xf32>
    %reduce_sum3A_22 = vector.multi_reduction <add>, %select_n3A, %reduce_sum3A [1] : vector<32x20224xf32> to vector<32xf32>
    %broadcast_in_dim3A_23 = vector.shape_cast %reduce_sum3A_22 : vector<32xf32> to vector<32x1xf32>
    %jit3A_24 = arith.constant 0.000000e+00 : f32
    %broadcast_in_dim3A_25 = vector.broadcast %jit3A_24 : f32 to vector<32x20224xf32>
    %select_n3A_26 = arith.select %and3A, %convert_element_type3A, %broadcast_in_dim3A_25 : vector<32x20224xi1>, vector<32x20224xf32>
    %reduce_sum3A_27 = arith.constant dense<0.000000e+00> : vector<32xf32>
    %reduce_sum3A_28 = vector.multi_reduction <add>, %select_n3A_26, %reduce_sum3A_27 [1] : vector<32x20224xf32> to vector<32xf32>
    %broadcast_in_dim3A_29 = vector.shape_cast %reduce_sum3A_28 : vector<32xf32> to vector<32x1xf32>
    %sub3A = arith.subf %min3A_11, %broadcast_in_dim3A_23 : vector<32x1xf32>
    %mul3A = arith.mulf %sub3A, %bitcast_convert_type3A : vector<32x1xf32>
    %add3A = arith.addf %broadcast_in_dim3A_29, %mul3A : vector<32x1xf32>
    %gt3A_30 = arith.constant 0.000000e+00 : f32
    %gt3A_31 = vector.broadcast %gt3A_30 : f32 to vector<32x1xf32>
    %gt3A_32 = arith.cmpf ogt, %min3A_11, %gt3A_31 : vector<32x1xf32>
    %jit3A_33 = arith.constant 0.000000e+00 : f32
    %broadcast_in_dim3A_34 = vector.broadcast %jit3A_33 : f32 to vector<32x1xf32>
    %select_n3A_35 = arith.select %gt3A_32, %add3A, %broadcast_in_dim3A_34 : vector<32x1xi1>, vector<32x1xf32>
    %reduce_sum3A_36 = vector.shape_cast %select_n3A_35 : vector<32x1xf32> to vector<1x32x1xf32>
    %reduce_sum3A_37 = arith.constant dense<0.000000e+00> : vector<1xf32>
    %reduce_sum3A_38 = vector.multi_reduction <add>, %reduce_sum3A_36, %reduce_sum3A_37 [1, 2] : vector<1x32x1xf32> to vector<1xf32>
    %reduce_sum3A_39 = vector.shape_cast %reduce_sum3A_38 : vector<1xf32> to vector<1x1x1xf32>
    %reduce_sum3A_40 = vector.extract %reduce_sum3A_39[0, 0, 0] : f32 from vector<1x1x1xf32>
    %reshape3A = vector.broadcast %reduce_sum3A_40 : f32 to vector<1x1xf32>
    %swap3A = arith.constant 0 : index
    %swap3A_41 = arith.constant 0 : index
    %swap3A_42 = vector.load %arg3[%swap3A, %swap3A_41] : memref<1x1xf32, #tpu.memory_space<vmem>>, vector<1x1xf32>
    tpu.vector_store %arg3[%swap3A, %swap3A_41], %reshape3A {strides = array<i32>} : memref<1x1xf32, #tpu.memory_space<vmem>>, vector<1x1xf32>,
    return
  }
}

</mosaic_0001>

<sc_bundles>
// kernel: kernel.4.cloned.1.call-start
scs
__scs_entry_jumppad:
0x0: {  	(pc) =	sbr.rel $0x88, $3  }
0x1: {  	(tag) =	ssettag $0x0;
	lr =	simm.s32 $0x1  }
0x2: {  	[smem:$0x3F9D] =	sst lr;
	_ =	strace $0xD0000000  }
0x3: {  	_ = 	snop  }
0x4: {  	_ = 	snop  }
0x5: {  	_ = 	snop  }
0x6: {  	_ = 	snop  }
0x7: {  	_ = 	snop  }
__scs_overlays_trampoline_lowered:
0x8: {  	[smem:$0x3FAC] =	sst s0  }
0x9: {  	[smem:$0x3FAD] =	sst s1  }
0xa: {  	[smem:$0x3FAE] =	sst s2  }
0xb: {  	[smem:$0x3FAF] =	sst s3  }
0xc: {  	[smem:$0x3FB0] =	sst s4  }
0xd: {  	[smem:$0x3FB1] =	sst s5  }
0xe: {  	[smem:$0x3FB2] =	sst s6  }
0xf: {  	[smem:$0x3FB3] =	sst s7  }
0x10: {  	[smem:$0x3FB4] =	sst s8  }
0x11: {  	[smem:$0x3FB5] =	sst s9;
	s0 =	simm.s32 @!p0 $0x0  }
0x12: {  	s1 =	sld [smem:$0x3F9B];
	s0 =	simm.s32 @p0 $0x1  }
0x13: {  	[smem:$0x3FB6] =	sst s0;
	s0 =	simm.s32 @!p1 $0x0  }
0x14: {  	s2 =	sld [smem:$0x3F9A];
	s0 =	simm.s32 @p1 $0x1  }
0x15: {  	[smem:$0x3FB7] =	sst s0;
	s0 =	simm.s32 @!p2 $0x0  }
0x16: {  	s3 =	sld [smem:$0x3FDB];
	s0 =	simm.s32 @p2 $0x1  }
0x17: {  	s4 =	simm.s32 $0x1BF5;
	[smem:$0x3FB9] =	sst s0  }
0x18: {  	s0 =	sld [smem:$0x3F9C];
	_ =	swait.ge [sflag:s4], $0x0  }
0x19: {  	s7 =	sld [smem:$0x3F9D]  }
0x1a: {  	s8 =	sadd.s32 $0xFFFFE003, lr  }
0x1b: {  	s9 =	sadd.s32 $0xFFFFFEF7, lr;
	s5 =	simm.s32 $0xFFFFFFFF;
	p2 =	slt.u32 s8, $0xFFFFF086  }
0x1c: {  	p1 =	slt.u32 s9, $0xF7A;
	s5 =	simm.s32 @!p2 $0x0  }
0x1d: {  	s5 =	simm.s32 @p1 $0x1;
	p0 =	seq.s32 s7, s2  }
0x1e: {  	s7 =	smul.u32 @!p0 $0xF7A, s2;
	p2 =	seq.s32 @!p0 s5, $0x0  }
0x1f: {  	s9 =	smul.u32 $0xF7A, s1;
	s8 =	simm.s32 @!p0 $0x1BF5;
	p2 =	por !p2, p0  }
0x20: {  	[sflag:s8] =	ssyncset.s32 @!p0 $0xFFFFF086;
	s6 =	sadd.s32 @!p0 s3, s7;
	s7 =	simm.s32 @!p0 $0x108  }
0x21: {  	s3 =	sadd.s32 s3, s9;
	s6 =	sadd.s32 @!p0 $0x88, s6;
	s7 =	simm.s32 @p2 $0x1082  }
0x22: {  	[simem:s7], [sflag:s8] =	dma.local @!p0 [hbm:s6], $0xF7A  }
0x23: {  	s9 =	sor.u32 $0xD0000000, s2;
	s6 =	simm.s32 $0x108;
	_ =	swait.ge @!p0 [sflag:s8], $0x0  }
0x24: {  	s3 =	sadd.s32 $0x88, s3;
	s6 =	simm.s32 @!p1 $0x1082;
	[sflag:s4] =	ssyncset.s32 $0xFFFFF086  }
0x25: {  	[simem:s6], [sflag:s4] =	dma.local [hbm:s3], $0xF7A  }
0x26: {  	[smem:$0x3F9D] =	sst s1;
	(tag) =	ssettag s2;
	_ =	strace s9  }
0x27: {  	s1 =	sld [smem:$0x3FAD]  }
0x28: {  	s2 =	sld [smem:$0x3FAE]  }
0x29: {  	s4 =	sld [smem:$0x3FB0]  }
0x2a: {  	p0 =	seq.s32 s5, $0x0;
	s5 =	sld [smem:$0x3FB1]  }
0x2b: {  	s6 =	sld [smem:$0x3FB2]  }
0x2c: {  	s7 =	sld [smem:$0x3FB3]  }
0x2d: {  	s3 =	simm.s32 $0x108;
	s8 =	sld [smem:$0x3FB4]  }
0x2e: {  	s3 =	simm.s32 @!p0 $0x1082;
	s9 =	sld [smem:$0x3FB5]  }
0x2f: {  	lr =	sadd.s32 s0, s3;
	s0 =	sld [smem:$0x3FAC]  }
0x30: {  	s3 =	sld [smem:$0x3FAF]  }
0x31: {  	[smem:$0x3FB8] =	sst s10  }
0x32: {  	s10 =	sld [smem:$0x3FB6];
	_ =	sdelay $0x3  }
0x33: {  	p0 =	seq.s32 s10, $0x1;
	s10 =	sld [smem:$0x3FB8];
	_ =	sdelay $0x3  }
0x34: {  	[smem:$0x3FB8] =	sst s10  }
0x35: {  	s10 =	sld [smem:$0x3FB7];
	_ =	sdelay $0x3  }
0x36: {  	p1 =	seq.s32 s10, $0x1;
	s10 =	sld [smem:$0x3FB8];
	_ =	sdelay $0x3  }
0x37: {  	[smem:$0x3FB8] =	sst s10  }
0x38: {  	s10 =	sld [smem:$0x3FB9]  }
0x39: {  	_ = 	snop;
	(pc) =	sbr.ind lr, $3  }
0x3a: {  	_ = 	snop  }
0x3b: {  	_ = 	snop  }
0x3c: {  	p2 =	seq.s32 s10, $0x1;
	s10 =	sld [smem:$0x3FB8]  }
0x3d: {  	_ =	shalt  }
0x3e: {  	_ =	shalt  }
0x3f: {  	_ =	shalt  }
0x40: {  	_ =	shalt  }
0x41: {  	_ =	shalt  }
0x42: {  	_ =	shalt  }
0x43: {  	_ =	shalt  }
0x44: {  	_ =	shalt  }
0x45: {  	_ =	shalt  }
0x46: {  	_ =	shalt  }
0x47: {  	_ =	shalt  }
0x48: {  	_ =	shalt  }
0x49: {  	_ =	shalt  }
0x4a: {  	_ =	shalt  }
0x4b: {  	_ =	shalt  }
0x4c: {  	_ =	shalt  }
0x4d: {  	_ =	shalt  }
0x4e: {  	_ =	shalt  }
0x4f: {  	_ =	shalt  }
0x50: {  	_ =	shalt  }
0x51: {  	_ =	shalt  }
0x52: {  	_ =	shalt  }
0x53: {  	_ =	shalt  }
0x54: {  	_ =	shalt  }
0x55: {  	_ =	shalt  }
0x56: {  	_ =	shalt  }
0x57: {  	_ =	shalt  }
0x58: {  	_ =	shalt  }
0x59: {  	_ =	shalt  }
0x5a: {  	_ =	shalt  }
0x5b: {  	_ =	shalt  }
0x5c: {  	_ =	shalt  }
0x5d: {  	_ =	shalt  }
0x5e: {  	_ =	shalt  }
0x5f: {  	_ =	shalt  }
0x60: {  	_ =	shalt  }
0x61: {  	_ =	shalt  }
0x62: {  	_ =	shalt  }
0x63: {  	_ =	shalt  }
0x64: {  	_ =	shalt  }
0x65: {  	_ =	shalt  }
0x66: {  	_ =	shalt  }
0x67: {  	_ =	shalt  }
0x68: {  	_ =	shalt  }
0x69: {  	_ =	shalt  }
0x6a: {  	_ =	shalt  }
0x6b: {  	_ =	shalt  }
0x6c: {  	_ =	shalt  }
0x6d: {  	_ =	shalt  }
0x6e: {  	_ =	shalt  }
0x6f: {  	_ =	shalt  }
0x70: {  	_ =	shalt  }
0x71: {  	_ =	shalt  }
0x72: {  	_ =	shalt  }
0x73: {  	_ =	shalt  }
0x74: {  	_ =	shalt  }
0x75: {  	_ =	shalt  }
0x76: {  	_ =	shalt  }
0x77: {  	_ =	shalt  }
0x78: {  	_ =	shalt  }
0x79: {  	_ =	shalt  }
0x7a: {  	_ =	shalt  }
0x7b: {  	_ =	shalt  }
0x7c: {  	_ =	shalt  }
0x7d: {  	_ =	shalt  }
0x7e: {  	_ =	shalt  }
0x7f: {  	_ =	shalt  }
0x80: {  	_ =	shalt  }
0x81: {  	_ =	shalt  }
0x82: {  	_ =	shalt  }
0x83: {  	_ =	shalt  }
0x84: {  	_ =	shalt  }
0x85: {  	_ =	shalt  }
0x86: {  	_ =	shalt  }
0x87: {  	_ =	shalt  }
.Lfunc_end0:
.L_simem_size_0:
called_computation_lowered:
.L_overlay_start_0:
0x88: {  	s2 =	sld [smem:$0x3FD9]  }
0x89: {  	s3 =	sld [smem:$0x3FFE];
	_ =	sdelay $0x1  }
0x8a: {  	s1 =	srdreg.scid  }
0x8b: {  	s0 =	sand.u32 $0x1, s1  }
0x8c: {  	s16 =	sshll.u32 s0, $0xA;
	s2 =	sadd.s32 s3, s2  }
0x8d: {  	s2 =	sadd.s32 s2, s16  }
0x8e: {  	[smem:$0x3FC4] =	sst s2  }
0x8f: {  	_ = 	snop  }
0x90: {  	(tm) =	ssettm $0x1  }
0x91: {  	s17 =	sld [smem:$0x3FFB];
	_ =	sdelay $0x3  }
0x92: {  	_ =	strace s17  }
0x93: {  	s2 =	sld [smem:$0x3FFC];
	_ =	sdelay $0x3  }
0x94: {  	_ =	strace s2  }
0x95: {  	s2 =	sld [smem:$0x3FFD];
	_ =	sdelay $0x3  }
0x96: {  	_ =	strace s2  }
0x97: {  	_ =	strace $0x8FFFFFFF  }
0x98: {  	s18 =	sld [smem:$0x3FDB];
	_ =	sdelay $0x1  }
0x99: {  	s19 =	simm.s32 $_scs_section_size  }
0x9a: {  	s4 =	simm.s32 $_size__tile_overlayer_lowered;
	s5 =	simm.s32 $_tile_overlayer_lowered  }
0x9b: {  	s22 =	simm.s32 $0x1BFF;
	s21 =	sshll.u32 s5, $0x1;
	s2 =	sadd.s32 s19, s18  }
0x9c: {  	s6 =	simm.s32 $0x0;
	s20 =	sshll.u32 s4, $0x1;
	s4 =	sadd.s32 s21, s2  }
0x9d: {  	[timem:s6], [sflag:s22] =	dma.local [hbm:s4], s20  }
0x9e: {  	_ =	swait.ge [sflag:s22], s20  }
0x9f: {  	s3 =	ssub.s32 $0x0, s20;
	[sflag:s22] =	ssyncset.done $0x0  }
0xa0: {  	[sflag:s22] =	ssyncadd.s32 s3;
	_ =	sdelay $0x1  }
0xa1: {  	s23 =	simm.s32 $0x1B8B  }
0xa2: {  	_ =	swait.ge [sflag:s23], $0x1  }
0xa3: {  	[sflag:s23] =	ssyncset.done $0x0  }
0xa4: {  	s25 =	simm.s32 $0x1B8E;
	s24 =	sld [smem:$0x3FFE];
	[sflag:s23] =	ssyncadd.s32 $0xFFFFFFFF  }
0xa5: {  	s26 =	simm.s32 $execute0_lowered;
	[smem:$0x3FD2] =	sst s25  }
0xa6: {  	s4 =	sshll.u32 s26, $0x1;
	_ =	strace $0x80000046;
	[dreg:$0x1] =	wrdreg $0xFFFFFFFF  }
0xa7: {  	s28 =	simm.s32 $_size_execute0_lowered;
	s2 =	sadd.s32 s2, s4;
	[dreg:$0x0] =	wrdreg $0x0  }
0xa8: {  	s4 =	sshll.u32 s28, $0x1;
	[dreg:$0x2] =	wrdreg s2  }
0xa9: {  	[dreg:$0x3] =	wrdreg s4  }
0xaa: {  	[dreg:$0x4] =	wrdreg $0xC0  }
0xab: {  	_ =	task [dreg:s6], $0x5FFFF  }
0xac: {  	[dreg:$0x1] =	wrdreg $0xFFFFFFFF  }
0xad: {  	[dreg:$0x0] =	wrdreg $0x60  }
0xae: {  	[dreg:$0x2] =	wrdreg s24  }
0xaf: {  	[dreg:$0x3] =	wrdreg $0x9  }
0xb0: {  	_ =	task.clear_ibuf [dreg:s6], $0x4FFFF;
	_ =	strace $0x90000046  }
0xb1: {  	s29 =	simm.s32 $0x9;
	_ =	strace $0x80000048  }
0xb2: {  	_ =	swait.ge [sflag:s29], $0x1  }
0xb3: {  	[sflag:s29] =	ssyncadd.s32 $0xFFFFFFFF  }
0xb4: {  	_ =	strace $0x90000048  }
0xb5: {  	_ =	sfence  }
0xb6: {  	s30 =	sld [smem:$0x0];
	_ =	sdelay $0x2  }
0xb7: {  	s31 =	sshll.u32 s1, $0xD;
	s1 =	sshrl.u32 s1, $0x2  }
0xb8: {  	s3 =	sand.u32 $0x4000, s31;
	s1 =	sadd.s32 s1, s30  }
0xb9: {  	s0 =	sor.u32 s3, s0;
	s1 =	sshll.u32 s1, $0x11  }
0xba: {  	s0 =	sor.u32 s1, s0  }
0xbb: {  	s0 =	sadd.s32 $0x8F2B, s0  }
0xbc: {  	[sflag:s0] =	ssyncadd.remote.s32 $0x1  }
0xbd: {  	_ =	sfence.sel $0xFFFF  }
0xbe: {  	[dreg:$0x0] =	wrdreg $0xFFFFFFFF;
	(pc) =	sbr.abs _section_cstart, $3  }
0xbf: {  	[dreg:$0x1] =	wrdreg $0xFFFFFFFF  }
0xc0: {  	_ =	task.clear_ibuf [dreg:s6], $0x2FFFF;
	_ =	strace $0x9FFFFFFF  }
0xc1: {  	(tm) =	ssettm $0x7FFFFFFF  }
tec
execute0_lowered:
.L_overlay_start_1:
0x0: {  	(tag) =	ssettag $0x1  }
0x1: {  	s3 =	rddreg [dreg:$0x0]  }
0x2: {  	s0 =	rddreg [dreg:$0x1]  }
0x3: {  	s4 =	srdreg.scid;
	s1 =	stileid.u32  }
0x4: {  	s2 =	simm.s32 $0x0;
	s4 =	sand.u32 $0x1, s4;
	s5 =	sshll.u32 s1, $0x1  }
0x5: {  	s8 =	simm.s32 $0x0;
	[smem:$0x7FF] =	sst s2;
	s5 =	sor.u32 s4, s5  }
0x6: {  	s4 =	ssub.s32 $0x2, s4;
	s6 =	sshll.u32 s5, $0x2;
	s5 =	smul.u32 $0x4F0, s5  }
0x7: {  	_ =	strace $0x80000047;
	s7 =	sshrl.u32 s4, $0x1;
	s6 =	sadd.s32 s6, s3  }
0x8: {  	s7 =	ssub.s32 s4, s7;
	s3 =	sadd.s32 s3, s5;
	s4 =	sadd.s32 $0x9E00, s6  }
0x9: {  	v0 =	vimm.f32 $1.000000000e+00;
	s5 =	smax.u32 s7, $0x1;
	s6 =	simm.s32 $0x1;
	s7 =	simm.s32 $0x2780  }
.LBB2_1:
0xa: {  	[tilespmem:s2], [sflag:$0x1] =	stream.linear.gather [hbm4b:s3+s2], $0x2780, $0x38;
	[tilespmem:$0x2800] =	vst v63  }
0xb: {  	s9 =	sand.u32 $0x7F00, s2;
	s10 =	sand.u32 $0x80, s2;
	_ =	swait.ge [sflag:s6], $0x2780  }
0xc: {  	s9 =	sor.u32 s10, s9;
	[sflag:s6] =	ssyncset.done $0x0  }
0xd: {  	s9 =	sshrl.u32 s9, $0x1;
	[sflag:s6] =	ssyncadd.s32 $0xFFFFD880  }
0xe: {  	v1 =	vld [tilespmem:s9+$0x0]  }
0xf: {  	v3 =	vld [tilespmem:s9+$0x20];
	_ =	sdelay $0x2  }
0x10: {  	v2 =	vimm.f32 $0.0e+00;
	v6 =	vimm.f32 $0.0e+00;
	s10 =	simm.s32 $0x40;
	s9 =	simm.s32 $0x80  }
0x11: {  	v7 =	vimm.f32 $0.0e+00;
	s11 =	sand.u32 $0x7F00, s10;
	s12 =	sand.u32 $0x80, s9;
	v5 =	vunpack.i.u.bf16.f32 v1;
	v10 =	vunpack.i.l.bf16.f32 v1  }
0x12: {  	s11 =	sor.u32 s12, s11;
	v1 =	vunpack.i.u.bf16.f32 v3;
	v4 =	vunpack.i.l.bf16.f32 v3;
	vm2 =	vge.f32 v5, $0.0e+00  }
0x13: {  	s12 =	sshrl.u32 s11, $0x1;
	vm1 =	vge.f32 v10, $0.0e+00;
	vm0 =	vge.f32 v1, $0.0e+00;
	v8 =	vsel vm2, $0x0, v0  }
0x14: {  	s11 =	simm.s32 $0x2;
	v3 =	vld [tilespmem:s12+$0x0];
	v9 =	vnsel vm2, $0x0, v5;
	vm2 =	vge.f32 v4, $0.0e+00;
	v5 =	vimm.f32 $0.0e+00  }
.LBB2_2:
0x15: {  	p0 =	sne.s32 s11, $0x13B;
	v11 =	vld [tilespmem:s12+$0x20];
	v12 =	vsel vm1, $0x0, v0;
	v10 =	vnsel vm1, $0x0, v10;
	v13 =	vsel vm2, $0x0, v0  }
0x16: {  	v4 =	vnsel vm2, $0x0, v4;
	v2 =	vadd.f32 v12, v2;
	v5 =	vadd.f32 v10, v5  }
0x17: {  	v6 =	vadd.f32 v13, v6;
	v4 =	vadd.f32 v4, v7;
	v7 =	vsel vm0, $0x0, v0  }
.Ltmp0:
0x18: {  	s9 =	sadd.s32 $0x80, s9;
	s10 =	sadd.s32 $0x40, s10;
	v1 =	vnsel vm0, $0x0, v1;
	v2 =	vadd.f32 v2, v8;
	v5 =	vadd.f32 v5, v9;
	(pc) =	sbr.rel @p0 .LBB2_2-.Ltmp0, $4  }
0x19: {  	s12 =	sand.u32 $0x7F00, s10;
	s13 =	sand.u32 $0x80, s9;
	v6 =	vadd.f32 v6, v7;
	v7 =	vadd.f32 v4, v1;
	v9 =	vunpack.i.u.bf16.f32 v3  }
0x1a: {  	s12 =	sor.u32 s13, s12;
	v10 =	vunpack.i.l.bf16.f32 v3;
	v1 =	vunpack.i.u.bf16.f32 v11;
	v4 =	vunpack.i.l.bf16.f32 v11  }
0x1b: {  	s12 =	sshrl.u32 s12, $0x1;
	vm1 =	vge.f32 v10, $0.0e+00;
	vm2 =	vge.f32 v9, $0.0e+00;
	vm0 =	vge.f32 v1, $0.0e+00  }
0x1c: {  	s11 =	sadd.s32 $0x1, s11;
	v8 =	vsel vm2, $0x0, v0;
	v9 =	vnsel vm2, $0x0, v9;
	vm2 =	vge.f32 v4, $0.0e+00;
	v3 =	vld [tilespmem:s12+$0x0]  }
0x1d: {  	v11 =	vld [tilespmem:s12+$0x20];
	v12 =	vsel vm1, $0x0, v0;
	v10 =	vnsel vm1, $0x0, v10;
	v13 =	vsel vm2, $0x0, v0  }
0x1e: {  	v4 =	vnsel vm2, $0x0, v4;
	v2 =	vadd.f32 v12, v2;
	v5 =	vadd.f32 v10, v5  }
0x1f: {  	v56 =	vsel vm0, $0x0, v0;
	v6 =	vadd.f32 v13, v6;
	v4 =	vadd.f32 v4, v7  }
0x20: {  	v1 =	vnsel vm0, $0x0, v1;
	v2 =	vadd.f32 v2, v8;
	v5 =	vadd.f32 v5, v9  }
0x21: {  	v6 =	vadd.f32 v6, v56;
	v1 =	vadd.f32 v4, v1;
	v57 =	vunpack.i.u.bf16.f32 v3  }
0x22: {  	v3 =	vunpack.i.l.bf16.f32 v3;
	v58 =	vunpack.i.u.bf16.f32 v11;
	v59 =	vunpack.i.l.bf16.f32 v11  }
0x23: {  	vm12 =	vge.f32 v3, $0.0e+00;
	vm13 =	vge.f32 v57, $0.0e+00;
	vm14 =	vge.f32 v58, $0.0e+00  }
0x24: {  	v60 =	vsel vm13, $0x0, v0;
	v8 =	vnsel vm13, $0x0, v57;
	vm15 =	vge.f32 v59, $0.0e+00  }
0x25: {  	v61 =	vsel vm12, $0x0, v0;
	v3 =	vnsel vm12, $0x0, v3;
	v62 =	vsel vm15, $0x0, v0  }
0x26: {  	v2 =	vadd.f32 v61, v2;
	v7 =	vnsel vm15, $0x0, v59;
	v6 =	vadd.f32 v62, v6  }
0x27: {  	v3 =	vadd.f32 v3, v5;
	v63 =	vsel vm14, $0x0, v0;
	v1 =	vadd.f32 v7, v1  }
0x28: {  	v4 =	vnsel vm14, $0x0, v58;
	v2 =	vadd.f32 v2, v60;
	v5 =	vadd.f32 v6, v63  }
0x29: {  	v3 =	vadd.f32 v3, v8;
	v1 =	vadd.f32 v1, v4  }
0x2a: {  	v2 =	vadd.f32 v5, v2  }
0x2b: {  	s8 =	sadd.s32 $0x1, s8;
	v1 =	vadd.f32 v1, v3  }
0x2c: {  	p0 =	sne.s32 s8, s5;
	[tilespmem:$0x2780] =	vst v2  }
.Ltmp1:
0x2d: {  	[tilespmem:$0x2790] =	vst v1;
	(pc) =	sbr.rel @p0 .LBB2_1-.Ltmp1, $4  }
0x2e: {  	[hbm4b:s4+s2] =	stream.linear.scatter [tilespmem:s7], [sflag:$0x1], $0x20, $0x38;
	[tilespmem:$0x2800] =	vst v63  }
0x2f: {  	_ =	swait.ge [sflag:s6], $0x20  }
0x30: {  	[sflag:s6] =	ssyncset.done $0x0  }
0x31: {  	[sflag:s6] =	ssyncadd.s32 $0xFFFFFFE0  }
0x32: {  	_ =	sfence.sel $0x180000  }
0x33: {  	[bflag:$0x0] =	sbarrier.arrive $0xFFFF  }
0x34: {  	p0 =	sne.s32 s1, $0x0;
	_ =	strace $0x90000047  }
0x35: {  	s0 =	sadd.s32 @!p0 $0x100000, s0;
	[bflag:$0x2] =	sbarrier.arrive $0xFFFF  }
0x36: {  	[sflag:s0] =	ssyncadd.tile.s32 @!p0 $0x1;
	_ =	shalt  }
.Lfunc_end2:
_tile_overlayer_lowered:
.L_overlay_start_2:
0x37: {  	(tag) =	ssettag $0x2  }
0x38: {  	s0 =	rddreg [dreg:$0x0];
	s2 =	stileid.u32  }
0x39: {  	s1 =	rddreg [dreg:$0x1];
	p0 =	sne.s32 s2, $0x0  }
0x3a: {  	s3 =	rddreg [dreg:$0x2];
	[bflag:$0x3] =	sbarrier.arrive $0xFFFF;
	s2 =	simm.s32 @!p0 $0x1C01  }
0x3b: {  	[timem:s3], [sflag:s2] =	dma.local @!p0 [hbm:s0], s1  }
0x3c: {  	s0 =	simm.s32 @!p0 $0x1  }
0x3d: {  	_ =	swait.ge @!p0 [sflag:s0], s1  }
0x3e: {  	s1 =	ssub.s32 @!p0 $0x0, s1;
	[sflag:s0] =	ssyncset.done @!p0 $0x0  }
0x3f: {  	[sflag:s0] =	ssyncadd.s32 @!p0 s1  }
0x40: {  	[bflag:$0x3] =	sbarrier.arrive $0xFFFF  }
0x41: {  	_ =	shalt  }

</sc_bundles>
